<compile_context>
chip_gen: v7x
topology: tpu7x:2x2x1
jax: 0.10.2.dev20260603
libtpu: 0.0.44.dev20260713+nightly
codegen_flags: <defaults>
</compile_context>

<pallas_src>
import functools

import jax
import jax.numpy as jnp
from jax import lax
from jax.experimental import pallas as pl
from jax.experimental.pallas import tpu as pltpu
from jax.experimental.pallas import tpu_sc as plsc

_B = 16
_C = 700
_MAXD = 2048
_ROWS = _B * _MAXD
_CCH = 512
_ZCH = 128

_info = plsc.get_sparse_core_info()
_NC = _info.num_cores
_NS = _info.num_subcores
_NW = _NC * _NS
_RPW = _ROWS // _NW


def _pad_stack_kernel(flat_hbm, zeros_hbm, out_hbm, zbuf, semz, semc):
    cid = lax.axis_index("c")
    sid = lax.axis_index("s")
    wid = sid * _NC + cid

    b = wid // 2
    p = wid - 2 * b
    g = b // 4
    m = b - 4 * g
    pad = jnp.where(m == 0, 0, jnp.where(m == 1, 1024, 1536))
    off = jnp.where(m == 0, 0, jnp.where(m == 1, 2048, jnp.where(m == 2, 3072, 3584)))
    cu_b = g * 4096 + off
    t0 = p * _RPW
    zp = jnp.clip(pad - t0, 0, _RPW)
    zn = zp // _ZCH
    cn = (_RPW - zp) // _CCH
    src0 = cu_b + t0 + zp - pad
    out0 = wid * _RPW

    def copy_fire(i, carry):
        src = pl.multiple_of(src0 + i * _CCH, _CCH)
        dst = pl.multiple_of(out0 + zp + i * _CCH, _CCH)
        pltpu.async_copy(flat_hbm.at[pl.ds(src, _CCH)],
                         out_hbm.at[pl.ds(dst, _CCH)], semc)
        return carry

    lax.fori_loop(0, cn, copy_fire, 0)

    pltpu.sync_copy(zeros_hbm, zbuf)

    def zero_fire(i, carry):
        dst = pl.multiple_of(out0 + i * _ZCH, _ZCH)
        pltpu.async_copy(zbuf, out_hbm.at[pl.ds(dst, _ZCH)], semz)
        return carry

    lax.fori_loop(0, zn, zero_fire, 0)

    def copy_drain(i, carry):
        pltpu.make_async_copy(flat_hbm.at[pl.ds(0, _CCH)],
                              out_hbm.at[pl.ds(0, _CCH)], semc).wait()
        return carry

    lax.fori_loop(0, cn, copy_drain, 0)

    def zero_drain(i, carry):
        pltpu.make_async_copy(zbuf, out_hbm.at[pl.ds(0, _ZCH)], semz).wait()
        return carry

    lax.fori_loop(0, zn, zero_drain, 0)


_pad_stack = functools.partial(
    pl.kernel,
    mesh=plsc.VectorSubcoreMesh(core_axis_name="c", subcore_axis_name="s"),
    out_type=jax.ShapeDtypeStruct((_ROWS, _C), jnp.float32),
    scratch_types=[
        pltpu.VMEM((_ZCH, _C), jnp.float32),
        pltpu.SemaphoreType.DMA,
        pltpu.SemaphoreType.DMA,
    ],
)(_pad_stack_kernel)


def kernel(flat, cu_seqlens, labels):
    del cu_seqlens
    zeros = jnp.zeros((_ZCH, _C), jnp.float32)
    out = _pad_stack(flat, zeros)
    return out.reshape(_B, _MAXD, _C), jnp.asarray(labels, jnp.int32)

# --- scband reference (transcript-rebuilt; emitter-appended) ---
"""Pipeline reference for scband-spike-time-to-matrix-shd-53523882443615 (READ-ONLY COPY).

The authoritative reference and input builder live on the scoring server;
editing this copy changes nothing except your own understanding.
"""

import jax, jax.numpy as jnp
import numpy as np

B = 16
C = 700

def _lengths():
    # deterministic ragged lengths: sum = 16384, max = 2048
    return np.array([2048, 1024, 512, 512] * 4, dtype=np.int32)

def setup_inputs(seed: int = 0) -> dict:
    key = jax.random.key(seed)
    lengths = _lengths()
    total = int(lengths.sum())  # 16384
    cu = np.concatenate([np.zeros(1, dtype=np.int32), np.cumsum(lengths, dtype=np.int32)]).astype(np.int32)
    k1, k2 = jax.random.split(key)
    # dense spike-train values (SHD spike counts per time-bin, modeled as uniform floats)
    flat = jax.random.uniform(k1, (total, C), dtype=jnp.float32)
    labels = jax.random.randint(k2, (B,), 0, 20, dtype=jnp.int32)
    return {"flat": flat, "cu_seqlens": jnp.asarray(cu, dtype=jnp.int32), "labels": labels}

def reference(flat, cu_seqlens, labels):
    # Faithful port of spikeTimeToMatrix_shd.forward with augment=False.
    # samples[b] = (spike_train, label), spike_train dense shape [T_b, C].
    # max_d = max length; each train is LEFT-padded along time (F.pad (0,0,max_d-T,0))
    # then stacked; labels -> int64 tensor.
    lengths = _lengths()
    max_d = int(lengths.max())
    num_ch = flat.shape[1]
    spike_train_batch = []
    for b in range(len(lengths)):
        T = int(lengths[b])
        start = cu_seqlens[b]
        spike_train = jax.lax.dynamic_slice(flat, (start, jnp.int32(0)), (T, num_ch))  # to_dense() equivalent
        pad_top = max_d - T
        spike_train = jnp.pad(spike_train, ((pad_top, 0), (0, 0)), mode='constant', constant_values=0.0)
        spike_train_batch.append(spike_train)
    stacked = jnp.stack(spike_train_batch)
    labels_out = jnp.asarray(labels, dtype=jnp.int64) if jax.config.jax_enable_x64 else jnp.asarray(labels, dtype=jnp.int32)
    return stacked, labels_out

if __name__ == "__main__":
    import jax
    _d = setup_inputs()
    print(jax.jit(kernel)(*tuple(_d.values())))

</pallas_src>

<mosaic_0001>
#map = affine_map<(d0, d1) -> (0, 0)>
module attributes {stable_mosaic.version = 14 : i64} {
  func.func @_pad_stack_kernel(%arg0: i32, %arg1: i32, %arg2: memref<16384x700xf32, #tpu.memory_space<hbm>>, %arg3: memref<128x700xf32, #tpu.memory_space<hbm>>, %arg4: memref<32768x700xf32, #tpu.memory_space<hbm>>, %arg5: memref<128x700xf32, #tpu.memory_space<vmem>>, %arg6: memref<!tpu.dma_semaphore, #tpu.memory_space<semaphore_mem>>, %arg7: memref<!tpu.dma_semaphore, #tpu.memory_space<semaphore_mem>>) attributes {dimension_semantics = [#tpu.dimension_semantics<core_parallel>, #tpu.dimension_semantics<subcore_parallel>], iteration_bounds = array<i64: 2, 16>, scalar_prefetch = 0 : i64, scratch_operands = 3 : i64, tpu.core_type = #tpu.core_type<sc_vector_subcore>, window_params = [{transform_indices = #map}, {transform_indices = #map}, {transform_indices = #map}]} {
    %mul3A = arith.constant 2 : i32
    %mul3A_0 = arith.muli %arg1, %mul3A : i32
    %add3A = arith.addi %mul3A_0, %arg0 : i32
    %jit3A = arith.constant 2 : i32
    %div3A = arith.divsi %add3A, %jit3A : i32
    %sign3A = arith.constant 0 : i32
    %sign3A_1 = arith.cmpi sgt, %add3A, %sign3A : i32
    %sign3A_2 = arith.extui %sign3A_1 : i1 to i32
    %sign3A_3 = arith.constant 0 : i32
    %sign3A_4 = arith.cmpi slt, %add3A, %sign3A_3 : i32
    %sign3A_5 = arith.extui %sign3A_4 : i1 to i32
    %sign3A_6 = arith.subi %sign3A_2, %sign3A_5 : i32
    %sign3A_7 = arith.constant 0 : i32
    %sign3A_8 = arith.cmpi sgt, %jit3A, %sign3A_7 : i32
    %sign3A_9 = arith.extui %sign3A_8 : i1 to i32
    %sign3A_10 = arith.constant 0 : i32
    %sign3A_11 = arith.cmpi slt, %jit3A, %sign3A_10 : i32
    %sign3A_12 = arith.extui %sign3A_11 : i1 to i32
    %sign3A_13 = arith.subi %sign3A_9, %sign3A_12 : i32
    %ne3A = arith.cmpi ne, %sign3A_6, %sign3A_13 : i32
    %rem3A = arith.remsi %add3A, %jit3A : i32
    %ne3A_14 = arith.constant 0 : i32
    %ne3A_15 = arith.cmpi ne, %rem3A, %ne3A_14 : i32
    %and3A = arith.andi %ne3A, %ne3A_15 : i1
    %sub3A = arith.constant 1 : i32
    %sub3A_16 = arith.subi %div3A, %sub3A : i32
    %select_n3A = arith.select %and3A, %sub3A_16, %div3A : i32
    %mul3A_17 = arith.constant 2 : i32
    %mul3A_18 = arith.muli %mul3A_17, %select_n3A : i32
    %sub3A_19 = arith.subi %add3A, %mul3A_18 : i32
    %jit3A_20 = arith.constant 4 : i32
    %div3A_21 = arith.divsi %select_n3A, %jit3A_20 : i32
    %sign3A_22 = arith.constant 0 : i32
    %sign3A_23 = arith.cmpi sgt, %select_n3A, %sign3A_22 : i32
    %sign3A_24 = arith.extui %sign3A_23 : i1 to i32
    %sign3A_25 = arith.constant 0 : i32
    %sign3A_26 = arith.cmpi slt, %select_n3A, %sign3A_25 : i32
    %sign3A_27 = arith.extui %sign3A_26 : i1 to i32
    %sign3A_28 = arith.subi %sign3A_24, %sign3A_27 : i32
    %sign3A_29 = arith.constant 0 : i32
    %sign3A_30 = arith.cmpi sgt, %jit3A_20, %sign3A_29 : i32
    %sign3A_31 = arith.extui %sign3A_30 : i1 to i32
    %sign3A_32 = arith.constant 0 : i32
    %sign3A_33 = arith.cmpi slt, %jit3A_20, %sign3A_32 : i32
    %sign3A_34 = arith.extui %sign3A_33 : i1 to i32
    %sign3A_35 = arith.subi %sign3A_31, %sign3A_34 : i32
    %ne3A_36 = arith.cmpi ne, %sign3A_28, %sign3A_35 : i32
    %rem3A_37 = arith.remsi %select_n3A, %jit3A_20 : i32
    %ne3A_38 = arith.constant 0 : i32
    %ne3A_39 = arith.cmpi ne, %rem3A_37, %ne3A_38 : i32
    %and3A_40 = arith.andi %ne3A_36, %ne3A_39 : i1
    %sub3A_41 = arith.constant 1 : i32
    %sub3A_42 = arith.subi %div3A_21, %sub3A_41 : i32
    %select_n3A_43 = arith.select %and3A_40, %sub3A_42, %div3A_21 : i32
    %mul3A_44 = arith.constant 4 : i32
    %mul3A_45 = arith.muli %mul3A_44, %select_n3A_43 : i32
    %sub3A_46 = arith.subi %select_n3A, %mul3A_45 : i32
    %eq3A = arith.constant 0 : i32
    %eq3A_47 = arith.cmpi eq, %sub3A_46, %eq3A : i32
    %eq3A_48 = arith.constant 1 : i32
    %eq3A_49 = arith.cmpi eq, %sub3A_46, %eq3A_48 : i32
    %jit3A_50 = arith.constant 1024 : i32
    %jit3A_51 = arith.constant 1536 : i32
    %select_n3A_52 = arith.select %eq3A_49, %jit3A_50, %jit3A_51 : i32
    %jit3A_53 = arith.constant 0 : i32
    %select_n3A_54 = arith.select %eq3A_47, %jit3A_53, %select_n3A_52 : i32
    %eq3A_55 = arith.constant 0 : i32
    %eq3A_56 = arith.cmpi eq, %sub3A_46, %eq3A_55 : i32
    %eq3A_57 = arith.constant 1 : i32
    %eq3A_58 = arith.cmpi eq, %sub3A_46, %eq3A_57 : i32
    %eq3A_59 = arith.constant 2 : i32
    %eq3A_60 = arith.cmpi eq, %sub3A_46, %eq3A_59 : i32
    %jit3A_61 = arith.constant 3072 : i32
    %jit3A_62 = arith.constant 3584 : i32
    %select_n3A_63 = arith.select %eq3A_60, %jit3A_61, %jit3A_62 : i32
    %jit3A_64 = arith.constant 2048 : i32
    %select_n3A_65 = arith.select %eq3A_58, %jit3A_64, %select_n3A_63 : i32
    %jit3A_66 = arith.constant 0 : i32
    %select_n3A_67 = arith.select %eq3A_56, %jit3A_66, %select_n3A_65 : i32
    %mul3A_68 = arith.constant 4096 : i32
    %mul3A_69 = arith.muli %select_n3A_43, %mul3A_68 : i32
    %add3A_70 = arith.addi %mul3A_69, %select_n3A_67 : i32
    %mul3A_71 = arith.constant 1024 : i32
    %mul3A_72 = arith.muli %sub3A_19, %mul3A_71 : i32
    %sub3A_73 = arith.subi %select_n3A_54, %mul3A_72 : i32
    %jit3A_74 = arith.constant 0 : i32
    %jit3A_75 = arith.constant 1024 : i32
    %max3A = arith.maxsi %jit3A_74, %sub3A_73 : i32
    %min3A = arith.minsi %jit3A_75, %max3A : i32
    %jit3A_76 = arith.constant 128 : i32
    %div3A_77 = arith.divsi %min3A, %jit3A_76 : i32
    %sign3A_78 = arith.constant 0 : i32
    %sign3A_79 = arith.cmpi sgt, %min3A, %sign3A_78 : i32
    %sign3A_80 = arith.extui %sign3A_79 : i1 to i32
    %sign3A_81 = arith.constant 0 : i32
    %sign3A_82 = arith.cmpi slt, %min3A, %sign3A_81 : i32
    %sign3A_83 = arith.extui %sign3A_82 : i1 to i32
    %sign3A_84 = arith.subi %sign3A_80, %sign3A_83 : i32
    %sign3A_85 = arith.constant 0 : i32
    %sign3A_86 = arith.cmpi sgt, %jit3A_76, %sign3A_85 : i32
    %sign3A_87 = arith.extui %sign3A_86 : i1 to i32
    %sign3A_88 = arith.constant 0 : i32
    %sign3A_89 = arith.cmpi slt, %jit3A_76, %sign3A_88 : i32
    %sign3A_90 = arith.extui %sign3A_89 : i1 to i32
    %sign3A_91 = arith.subi %sign3A_87, %sign3A_90 : i32
    %ne3A_92 = arith.cmpi ne, %sign3A_84, %sign3A_91 : i32
    %rem3A_93 = arith.remsi %min3A, %jit3A_76 : i32
    %ne3A_94 = arith.constant 0 : i32
    %ne3A_95 = arith.cmpi ne, %rem3A_93, %ne3A_94 : i32
    %and3A_96 = arith.andi %ne3A_92, %ne3A_95 : i1
    %sub3A_97 = arith.constant 1 : i32
    %sub3A_98 = arith.subi %div3A_77, %sub3A_97 : i32
    %select_n3A_99 = arith.select %and3A_96, %sub3A_98, %div3A_77 : i32
    %sub3A_100 = arith.constant 1024 : i32
    %sub3A_101 = arith.subi %sub3A_100, %min3A : i32
    %jit3A_102 = arith.constant 512 : i32
    %div3A_103 = arith.divsi %sub3A_101, %jit3A_102 : i32
    %sign3A_104 = arith.constant 0 : i32
    %sign3A_105 = arith.cmpi sgt, %sub3A_101, %sign3A_104 : i32
    %sign3A_106 = arith.extui %sign3A_105 : i1 to i32
    %sign3A_107 = arith.constant 0 : i32
    %sign3A_108 = arith.cmpi slt, %sub3A_101, %sign3A_107 : i32
    %sign3A_109 = arith.extui %sign3A_108 : i1 to i32
    %sign3A_110 = arith.subi %sign3A_106, %sign3A_109 : i32
    %sign3A_111 = arith.constant 0 : i32
    %sign3A_112 = arith.cmpi sgt, %jit3A_102, %sign3A_111 : i32
    %sign3A_113 = arith.extui %sign3A_112 : i1 to i32
    %sign3A_114 = arith.constant 0 : i32
    %sign3A_115 = arith.cmpi slt, %jit3A_102, %sign3A_114 : i32
    %sign3A_116 = arith.extui %sign3A_115 : i1 to i32
    %sign3A_117 = arith.subi %sign3A_113, %sign3A_116 : i32
    %ne3A_118 = arith.cmpi ne, %sign3A_110, %sign3A_117 : i32
    %rem3A_119 = arith.remsi %sub3A_101, %jit3A_102 : i32
    %ne3A_120 = arith.constant 0 : i32
    %ne3A_121 = arith.cmpi ne, %rem3A_119, %ne3A_120 : i32
    %and3A_122 = arith.andi %ne3A_118, %ne3A_121 : i1
    %sub3A_123 = arith.constant 1 : i32
    %sub3A_124 = arith.subi %div3A_103, %sub3A_123 : i32
    %select_n3A_125 = arith.select %and3A_122, %sub3A_124, %div3A_103 : i32
    %add3A_126 = arith.addi %add3A_70, %mul3A_72 : i32
    %add3A_127 = arith.addi %add3A_126, %min3A : i32
    %sub3A_128 = arith.subi %add3A_127, %select_n3A_54 : i32
    %mul3A_129 = arith.constant 1024 : i32
    %mul3A_130 = arith.muli %add3A, %mul3A_129 : i32
    %while3A = arith.constant 0 : i32
    %while3A_131 = arith.constant 0 : i32
    %while3A_132 = arith.subi %select_n3A_125, %while3A_131 : i32
    %while3A_133 = arith.addi %while3A_131, %while3A_132 : i32
    %while3A_134 = arith.constant 1 : i32
    %while3A_135 = arith.divsi %while3A_132, %while3A_134 : i32
    %while3A_136 = arith.muli %while3A_135, %while3A_134 : i32
    %while3A_137 = arith.addi %while3A_131, %while3A_136 : i32
    %while3A_138 = arith.constant 1 : i32
    scf.for %while3A_170 = %while3A_131 to %while3A_137 step %while3A_138  : i32 {
      %mul3A_171 = arith.constant 512 : i32
      %mul3A_172 = arith.muli %while3A_170, %mul3A_171 : i32
      %add3A_173 = arith.addi %sub3A_128, %mul3A_172 : i32
      %multiple_of3A = tpu.assume_multiple %add3A_173, 512 : i32
      %add3A_174 = arith.addi %mul3A_130, %min3A : i32
      %mul3A_175 = arith.constant 512 : i32
      %mul3A_176 = arith.muli %while3A_170, %mul3A_175 : i32
      %add3A_177 = arith.addi %add3A_174, %mul3A_176 : i32
      %multiple_of3A_178 = tpu.assume_multiple %add3A_177, 512 : i32
      %dma_start3A = arith.constant 0 : i32
      %dma_start3A_179 = tpu.memref_slice %arg4[%multiple_of3A_178, %dma_start3A] : memref<32768x700xf32, #tpu.memory_space<hbm>> -> memref<512x700xf32, #tpu.memory_space<hbm>>
      %dma_start3A_180 = arith.constant 0 : i32
      %dma_start3A_181 = tpu.memref_slice %arg2[%multiple_of3A, %dma_start3A_180] : memref<16384x700xf32, #tpu.memory_space<hbm>> -> memref<512x700xf32, #tpu.memory_space<hbm>>
      tpu.enqueue_dma source(%dma_start3A_181 : memref<512x700xf32, #tpu.memory_space<hbm>>) target(%dma_start3A_179 : memref<512x700xf32, #tpu.memory_space<hbm>>) target_semaphore(%arg7 : memref<!tpu.dma_semaphore, #tpu.memory_space<semaphore_mem>>)
    }
    %while3A_139 = arith.constant 1 : i32
    scf.for %while3A_170 = %while3A_137 to %while3A_133 step %while3A_139  : i32 {
      %mul3A_171 = arith.constant 512 : i32
      %mul3A_172 = arith.muli %while3A_170, %mul3A_171 : i32
      %add3A_173 = arith.addi %sub3A_128, %mul3A_172 : i32
      %multiple_of3A = tpu.assume_multiple %add3A_173, 512 : i32
      %add3A_174 = arith.addi %mul3A_130, %min3A : i32
      %mul3A_175 = arith.constant 512 : i32
      %mul3A_176 = arith.muli %while3A_170, %mul3A_175 : i32
      %add3A_177 = arith.addi %add3A_174, %mul3A_176 : i32
      %multiple_of3A_178 = tpu.assume_multiple %add3A_177, 512 : i32
      %dma_start3A = arith.constant 0 : i32
      %dma_start3A_179 = tpu.memref_slice %arg4[%multiple_of3A_178, %dma_start3A] : memref<32768x700xf32, #tpu.memory_space<hbm>> -> memref<512x700xf32, #tpu.memory_space<hbm>>
      %dma_start3A_180 = arith.constant 0 : i32
      %dma_start3A_181 = tpu.memref_slice %arg2[%multiple_of3A, %dma_start3A_180] : memref<16384x700xf32, #tpu.memory_space<hbm>> -> memref<512x700xf32, #tpu.memory_space<hbm>>
      tpu.enqueue_dma source(%dma_start3A_181 : memref<512x700xf32, #tpu.memory_space<hbm>>) target(%dma_start3A_179 : memref<512x700xf32, #tpu.memory_space<hbm>>) target_semaphore(%arg7 : memref<!tpu.dma_semaphore, #tpu.memory_space<semaphore_mem>>)
    }
    "tpu.region"() ({
      %run_scoped3A = tpu.sem_alloc : memref<!tpu.dma_semaphore, #tpu.memory_space<semaphore_mem>>
      tpu.enqueue_dma source(%arg3 : memref<128x700xf32, #tpu.memory_space<hbm>>) target(%arg5 : memref<128x700xf32, #tpu.memory_space<vmem>>) target_semaphore(%run_scoped3A : memref<!tpu.dma_semaphore, #tpu.memory_space<semaphore_mem>>)
      tpu.wait_dma2 semaphore(%run_scoped3A : memref<!tpu.dma_semaphore, #tpu.memory_space<semaphore_mem>>) src(%arg3 : memref<128x700xf32, #tpu.memory_space<hbm>>) dst(%arg5 : memref<128x700xf32, #tpu.memory_space<vmem>>)
      tpu.yield
    }) : () -> ()
    %while3A_140 = arith.constant 0 : i32
    %while3A_141 = arith.constant 0 : i32
    %while3A_142 = arith.subi %select_n3A_99, %while3A_141 : i32
    %while3A_143 = arith.addi %while3A_141, %while3A_142 : i32
    %while3A_144 = arith.constant 1 : i32
    %while3A_145 = arith.divsi %while3A_142, %while3A_144 : i32
    %while3A_146 = arith.muli %while3A_145, %while3A_144 : i32
    %while3A_147 = arith.addi %while3A_141, %while3A_146 : i32
    %while3A_148 = arith.constant 1 : i32
    scf.for %while3A_170 = %while3A_141 to %while3A_147 step %while3A_148  : i32 {
      %mul3A_171 = arith.constant 128 : i32
      %mul3A_172 = arith.muli %while3A_170, %mul3A_171 : i32
      %add3A_173 = arith.addi %mul3A_130, %mul3A_172 : i32
      %multiple_of3A = tpu.assume_multiple %add3A_173, 128 : i32
      %dma_start3A = arith.constant 0 : i32
      %dma_start3A_174 = tpu.memref_slice %arg4[%multiple_of3A, %dma_start3A] : memref<32768x700xf32, #tpu.memory_space<hbm>> -> memref<128x700xf32, #tpu.memory_space<hbm>>
      %dma_start3A_175 = arith.constant 0 : i32
      %dma_start3A_176 = tpu.memref_slice %arg4[%multiple_of3A, %dma_start3A_175] : memref<32768x700xf32, #tpu.memory_space<hbm>> -> memref<128x700xf32, #tpu.memory_space<hbm>>
      tpu.enqueue_dma source(%arg5 : memref<128x700xf32, #tpu.memory_space<vmem>>) target(%dma_start3A_176 : memref<128x700xf32, #tpu.memory_space<hbm>>) target_semaphore(%arg6 : memref<!tpu.dma_semaphore, #tpu.memory_space<semaphore_mem>>)
    }
    %while3A_149 = arith.constant 1 : i32
    scf.for %while3A_170 = %while3A_147 to %while3A_143 step %while3A_149  : i32 {
      %mul3A_171 = arith.constant 128 : i32
      %mul3A_172 = arith.muli %while3A_170, %mul3A_171 : i32
      %add3A_173 = arith.addi %mul3A_130, %mul3A_172 : i32
      %multiple_of3A = tpu.assume_multiple %add3A_173, 128 : i32
      %dma_start3A = arith.constant 0 : i32
      %dma_start3A_174 = tpu.memref_slice %arg4[%multiple_of3A, %dma_start3A] : memref<32768x700xf32, #tpu.memory_space<hbm>> -> memref<128x700xf32, #tpu.memory_space<hbm>>
      %dma_start3A_175 = arith.constant 0 : i32
      %dma_start3A_176 = tpu.memref_slice %arg4[%multiple_of3A, %dma_start3A_175] : memref<32768x700xf32, #tpu.memory_space<hbm>> -> memref<128x700xf32, #tpu.memory_space<hbm>>
      tpu.enqueue_dma source(%arg5 : memref<128x700xf32, #tpu.memory_space<vmem>>) target(%dma_start3A_176 : memref<128x700xf32, #tpu.memory_space<hbm>>) target_semaphore(%arg6 : memref<!tpu.dma_semaphore, #tpu.memory_space<semaphore_mem>>)
    }
    %while3A_150 = arith.constant 0 : i32
    %while3A_151 = arith.constant 0 : i32
    %while3A_152 = arith.subi %select_n3A_125, %while3A_151 : i32
    %while3A_153 = arith.addi %while3A_151, %while3A_152 : i32
    %while3A_154 = arith.constant 1 : i32
    %while3A_155 = arith.divsi %while3A_152, %while3A_154 : i32
    %while3A_156 = arith.muli %while3A_155, %while3A_154 : i32
    %while3A_157 = arith.addi %while3A_151, %while3A_156 : i32
    %while3A_158 = arith.constant 1 : i32
    scf.for %while3A_170 = %while3A_151 to %while3A_157 step %while3A_158  : i32 {
      %dma_wait3A = arith.constant 0 : i32
      %dma_wait3A_171 = arith.constant 0 : i32
      %dma_wait3A_172 = tpu.memref_slice %arg4[%dma_wait3A, %dma_wait3A_171] : memref<32768x700xf32, #tpu.memory_space<hbm>> -> memref<512x700xf32, #tpu.memory_space<hbm>>
      %dma_wait3A_173 = arith.constant 0 : i32
      %dma_wait3A_174 = arith.constant 0 : i32
      %dma_wait3A_175 = tpu.memref_slice %arg2[%dma_wait3A_173, %dma_wait3A_174] : memref<16384x700xf32, #tpu.memory_space<hbm>> -> memref<512x700xf32, #tpu.memory_space<hbm>>
      tpu.wait_dma2 semaphore(%arg7 : memref<!tpu.dma_semaphore, #tpu.memory_space<semaphore_mem>>) src(%dma_wait3A_175 : memref<512x700xf32, #tpu.memory_space<hbm>>) dst(%dma_wait3A_172 : memref<512x700xf32, #tpu.memory_space<hbm>>)
    }
    %while3A_159 = arith.constant 1 : i32
    scf.for %while3A_170 = %while3A_157 to %while3A_153 step %while3A_159  : i32 {
      %dma_wait3A = arith.constant 0 : i32
      %dma_wait3A_171 = arith.constant 0 : i32
      %dma_wait3A_172 = tpu.memref_slice %arg4[%dma_wait3A, %dma_wait3A_171] : memref<32768x700xf32, #tpu.memory_space<hbm>> -> memref<512x700xf32, #tpu.memory_space<hbm>>
      %dma_wait3A_173 = arith.constant 0 : i32
      %dma_wait3A_174 = arith.constant 0 : i32
      %dma_wait3A_175 = tpu.memref_slice %arg2[%dma_wait3A_173, %dma_wait3A_174] : memref<16384x700xf32, #tpu.memory_space<hbm>> -> memref<512x700xf32, #tpu.memory_space<hbm>>
      tpu.wait_dma2 semaphore(%arg7 : memref<!tpu.dma_semaphore, #tpu.memory_space<semaphore_mem>>) src(%dma_wait3A_175 : memref<512x700xf32, #tpu.memory_space<hbm>>) dst(%dma_wait3A_172 : memref<512x700xf32, #tpu.memory_space<hbm>>)
    }
    %while3A_160 = arith.constant 0 : i32
    %while3A_161 = arith.constant 0 : i32
    %while3A_162 = arith.subi %select_n3A_99, %while3A_161 : i32
    %while3A_163 = arith.addi %while3A_161, %while3A_162 : i32
    %while3A_164 = arith.constant 1 : i32
    %while3A_165 = arith.divsi %while3A_162, %while3A_164 : i32
    %while3A_166 = arith.muli %while3A_165, %while3A_164 : i32
    %while3A_167 = arith.addi %while3A_161, %while3A_166 : i32
    %while3A_168 = arith.constant 1 : i32
    scf.for %while3A_170 = %while3A_161 to %while3A_167 step %while3A_168  : i32 {
      %dma_wait3A = arith.constant 0 : i32
      %dma_wait3A_171 = arith.constant 0 : i32
      %dma_wait3A_172 = tpu.memref_slice %arg4[%dma_wait3A, %dma_wait3A_171] : memref<32768x700xf32, #tpu.memory_space<hbm>> -> memref<128x700xf32, #tpu.memory_space<hbm>>
      %dma_wait3A_173 = arith.constant 0 : i32
      %dma_wait3A_174 = arith.constant 0 : i32
      %dma_wait3A_175 = tpu.memref_slice %arg4[%dma_wait3A_173, %dma_wait3A_174] : memref<32768x700xf32, #tpu.memory_space<hbm>> -> memref<128x700xf32, #tpu.memory_space<hbm>>
      tpu.wait_dma2 semaphore(%arg6 : memref<!tpu.dma_semaphore, #tpu.memory_space<semaphore_mem>>) src(%arg5 : memref<128x700xf32, #tpu.memory_space<vmem>>) dst(%dma_wait3A_175 : memref<128x700xf32, #tpu.memory_space<hbm>>)
    }
    %while3A_169 = arith.constant 1 : i32
    scf.for %while3A_170 = %while3A_167 to %while3A_163 step %while3A_169  : i32 {
      %dma_wait3A = arith.constant 0 : i32
      %dma_wait3A_171 = arith.constant 0 : i32
      %dma_wait3A_172 = tpu.memref_slice %arg4[%dma_wait3A, %dma_wait3A_171] : memref<32768x700xf32, #tpu.memory_space<hbm>> -> memref<128x700xf32, #tpu.memory_space<hbm>>
      %dma_wait3A_173 = arith.constant 0 : i32
      %dma_wait3A_174 = arith.constant 0 : i32
      %dma_wait3A_175 = tpu.memref_slice %arg4[%dma_wait3A_173, %dma_wait3A_174] : memref<32768x700xf32, #tpu.memory_space<hbm>> -> memref<128x700xf32, #tpu.memory_space<hbm>>
      tpu.wait_dma2 semaphore(%arg6 : memref<!tpu.dma_semaphore, #tpu.memory_space<semaphore_mem>>) src(%arg5 : memref<128x700xf32, #tpu.memory_space<vmem>>) dst(%dma_wait3A_175 : memref<128x700xf32, #tpu.memory_space<hbm>>)
    }
    return
  }
}

</mosaic_0001>

<sc_bundles>
// kernel: kernel.3.cloned.1.call-start
scs
__scs_entry_jumppad:
0x0: {  	(pc) =	sbr.rel $0x88, $3  }
0x1: {  	(tag) =	ssettag $0x0;
	lr =	simm.s32 $0x1  }
0x2: {  	[smem:$0x3F9F] =	sst lr;
	_ =	strace $0xD0000000  }
0x3: {  	_ = 	snop  }
0x4: {  	_ = 	snop  }
0x5: {  	_ = 	snop  }
0x6: {  	_ = 	snop  }
0x7: {  	_ = 	snop  }
__scs_overlays_trampoline_lowered:
0x8: {  	[smem:$0x3FAE] =	sst s0  }
0x9: {  	[smem:$0x3FAF] =	sst s1  }
0xa: {  	[smem:$0x3FB0] =	sst s2  }
0xb: {  	[smem:$0x3FB1] =	sst s3  }
0xc: {  	[smem:$0x3FB2] =	sst s4  }
0xd: {  	[smem:$0x3FB3] =	sst s5  }
0xe: {  	[smem:$0x3FB4] =	sst s6  }
0xf: {  	[smem:$0x3FB5] =	sst s7  }
0x10: {  	[smem:$0x3FB6] =	sst s8  }
0x11: {  	[smem:$0x3FB7] =	sst s9;
	s0 =	simm.s32 @!p0 $0x0  }
0x12: {  	s1 =	sld [smem:$0x3F9D];
	s0 =	simm.s32 @p0 $0x1  }
0x13: {  	[smem:$0x3FB8] =	sst s0;
	s0 =	simm.s32 @!p1 $0x0  }
0x14: {  	s2 =	sld [smem:$0x3F9C];
	s0 =	simm.s32 @p1 $0x1  }
0x15: {  	[smem:$0x3FB9] =	sst s0;
	s0 =	simm.s32 @!p2 $0x0  }
0x16: {  	s3 =	sld [smem:$0x3FDB];
	s0 =	simm.s32 @p2 $0x1  }
0x17: {  	s4 =	simm.s32 $0x1BF5;
	[smem:$0x3FBB] =	sst s0  }
0x18: {  	s0 =	sld [smem:$0x3F9E];
	_ =	swait.ge [sflag:s4], $0x0  }
0x19: {  	s7 =	sld [smem:$0x3F9F]  }
0x1a: {  	s8 =	sadd.s32 $0xFFFFE003, lr  }
0x1b: {  	s9 =	sadd.s32 $0xFFFFFEF7, lr;
	s5 =	simm.s32 $0xFFFFFFFF;
	p2 =	slt.u32 s8, $0xFFFFF086  }
0x1c: {  	p1 =	slt.u32 s9, $0xF7A;
	s5 =	simm.s32 @!p2 $0x0  }
0x1d: {  	s5 =	simm.s32 @p1 $0x1;
	p0 =	seq.s32 s7, s2  }
0x1e: {  	s7 =	smul.u32 @!p0 $0xF7A, s2;
	p2 =	seq.s32 @!p0 s5, $0x0  }
0x1f: {  	s9 =	smul.u32 $0xF7A, s1;
	s8 =	simm.s32 @!p0 $0x1BF5;
	p2 =	por !p2, p0  }
0x20: {  	[sflag:s8] =	ssyncset.s32 @!p0 $0xFFFFF086;
	s6 =	sadd.s32 @!p0 s3, s7;
	s7 =	simm.s32 @!p0 $0x108  }
0x21: {  	s3 =	sadd.s32 s3, s9;
	s6 =	sadd.s32 @!p0 $0x88, s6;
	s7 =	simm.s32 @p2 $0x1082  }
0x22: {  	[simem:s7], [sflag:s8] =	dma.local @!p0 [hbm:s6], $0xF7A  }
0x23: {  	s9 =	sor.u32 $0xD0000000, s2;
	s6 =	simm.s32 $0x108;
	_ =	swait.ge @!p0 [sflag:s8], $0x0  }
0x24: {  	s3 =	sadd.s32 $0x88, s3;
	s6 =	simm.s32 @!p1 $0x1082;
	[sflag:s4] =	ssyncset.s32 $0xFFFFF086  }
0x25: {  	[simem:s6], [sflag:s4] =	dma.local [hbm:s3], $0xF7A  }
0x26: {  	[smem:$0x3F9F] =	sst s1;
	(tag) =	ssettag s2;
	_ =	strace s9  }
0x27: {  	s1 =	sld [smem:$0x3FAF]  }
0x28: {  	s2 =	sld [smem:$0x3FB0]  }
0x29: {  	s4 =	sld [smem:$0x3FB2]  }
0x2a: {  	p0 =	seq.s32 s5, $0x0;
	s5 =	sld [smem:$0x3FB3]  }
0x2b: {  	s6 =	sld [smem:$0x3FB4]  }
0x2c: {  	s7 =	sld [smem:$0x3FB5]  }
0x2d: {  	s3 =	simm.s32 $0x108;
	s8 =	sld [smem:$0x3FB6]  }
0x2e: {  	s3 =	simm.s32 @!p0 $0x1082;
	s9 =	sld [smem:$0x3FB7]  }
0x2f: {  	lr =	sadd.s32 s0, s3;
	s0 =	sld [smem:$0x3FAE]  }
0x30: {  	s3 =	sld [smem:$0x3FB1]  }
0x31: {  	[smem:$0x3FBA] =	sst s10  }
0x32: {  	s10 =	sld [smem:$0x3FB8];
	_ =	sdelay $0x3  }
0x33: {  	p0 =	seq.s32 s10, $0x1;
	s10 =	sld [smem:$0x3FBA];
	_ =	sdelay $0x3  }
0x34: {  	[smem:$0x3FBA] =	sst s10  }
0x35: {  	s10 =	sld [smem:$0x3FB9];
	_ =	sdelay $0x3  }
0x36: {  	p1 =	seq.s32 s10, $0x1;
	s10 =	sld [smem:$0x3FBA];
	_ =	sdelay $0x3  }
0x37: {  	[smem:$0x3FBA] =	sst s10  }
0x38: {  	s10 =	sld [smem:$0x3FBB]  }
0x39: {  	_ = 	snop;
	(pc) =	sbr.ind lr, $3  }
0x3a: {  	_ = 	snop  }
0x3b: {  	_ = 	snop  }
0x3c: {  	p2 =	seq.s32 s10, $0x1;
	s10 =	sld [smem:$0x3FBA]  }
0x3d: {  	_ =	shalt  }
0x3e: {  	_ =	shalt  }
0x3f: {  	_ =	shalt  }
0x40: {  	_ =	shalt  }
0x41: {  	_ =	shalt  }
0x42: {  	_ =	shalt  }
0x43: {  	_ =	shalt  }
0x44: {  	_ =	shalt  }
0x45: {  	_ =	shalt  }
0x46: {  	_ =	shalt  }
0x47: {  	_ =	shalt  }
0x48: {  	_ =	shalt  }
0x49: {  	_ =	shalt  }
0x4a: {  	_ =	shalt  }
0x4b: {  	_ =	shalt  }
0x4c: {  	_ =	shalt  }
0x4d: {  	_ =	shalt  }
0x4e: {  	_ =	shalt  }
0x4f: {  	_ =	shalt  }
0x50: {  	_ =	shalt  }
0x51: {  	_ =	shalt  }
0x52: {  	_ =	shalt  }
0x53: {  	_ =	shalt  }
0x54: {  	_ =	shalt  }
0x55: {  	_ =	shalt  }
0x56: {  	_ =	shalt  }
0x57: {  	_ =	shalt  }
0x58: {  	_ =	shalt  }
0x59: {  	_ =	shalt  }
0x5a: {  	_ =	shalt  }
0x5b: {  	_ =	shalt  }
0x5c: {  	_ =	shalt  }
0x5d: {  	_ =	shalt  }
0x5e: {  	_ =	shalt  }
0x5f: {  	_ =	shalt  }
0x60: {  	_ =	shalt  }
0x61: {  	_ =	shalt  }
0x62: {  	_ =	shalt  }
0x63: {  	_ =	shalt  }
0x64: {  	_ =	shalt  }
0x65: {  	_ =	shalt  }
0x66: {  	_ =	shalt  }
0x67: {  	_ =	shalt  }
0x68: {  	_ =	shalt  }
0x69: {  	_ =	shalt  }
0x6a: {  	_ =	shalt  }
0x6b: {  	_ =	shalt  }
0x6c: {  	_ =	shalt  }
0x6d: {  	_ =	shalt  }
0x6e: {  	_ =	shalt  }
0x6f: {  	_ =	shalt  }
0x70: {  	_ =	shalt  }
0x71: {  	_ =	shalt  }
0x72: {  	_ =	shalt  }
0x73: {  	_ =	shalt  }
0x74: {  	_ =	shalt  }
0x75: {  	_ =	shalt  }
0x76: {  	_ =	shalt  }
0x77: {  	_ =	shalt  }
0x78: {  	_ =	shalt  }
0x79: {  	_ =	shalt  }
0x7a: {  	_ =	shalt  }
0x7b: {  	_ =	shalt  }
0x7c: {  	_ =	shalt  }
0x7d: {  	_ =	shalt  }
0x7e: {  	_ =	shalt  }
0x7f: {  	_ =	shalt  }
0x80: {  	_ =	shalt  }
0x81: {  	_ =	shalt  }
0x82: {  	_ =	shalt  }
0x83: {  	_ =	shalt  }
0x84: {  	_ =	shalt  }
0x85: {  	_ =	shalt  }
0x86: {  	_ =	shalt  }
0x87: {  	_ =	shalt  }
.Lfunc_end0:
.L_simem_size_0:
called_computation.1_lowered:
.L_overlay_start_0:
0x88: {  	s2 =	sld [smem:$0x3FD9]  }
0x89: {  	s3 =	sld [smem:$0x3FFE];
	_ =	sdelay $0x1  }
0x8a: {  	s1 =	srdreg.scid  }
0x8b: {  	s0 =	sand.u32 $0x1, s1  }
0x8c: {  	s14 =	sshll.u32 s0, $0xA;
	s2 =	sadd.s32 s3, s2  }
0x8d: {  	s2 =	sadd.s32 s2, s14  }
0x8e: {  	[smem:$0x3FC6] =	sst s2  }
0x8f: {  	_ = 	snop  }
0x90: {  	s2 =	sld [smem:$0x3FD0];
	_ =	sdelay $0x2  }
0x91: {  	s15 =	simm.s32 $0xA;
	s4 =	simm.s32 $0x10  }
0x92: {  	[smem:s4], [sflag:s15] =	dma.local [hbm:s2], $0x1  }
0x93: {  	_ =	swait.eq [sflag:s15], $0x1  }
0x94: {  	[sflag:s15] =	ssyncset.done $0x0  }
0x95: {  	[sflag:s15] =	ssyncadd.s32 $0xFFFFFFFF  }
0x96: {  	s16 =	sld [smem:$0x10];
	(tm) =	ssettm $0x1  }
0x97: {  	s17 =	sld [smem:$0x3FFB];
	_ =	sdelay $0x3  }
0x98: {  	_ =	strace s17  }
0x99: {  	s3 =	sld [smem:$0x3FFC];
	_ =	sdelay $0x3  }
0x9a: {  	_ =	strace s3  }
0x9b: {  	s3 =	sld [smem:$0x3FFD];
	_ =	sdelay $0x3  }
0x9c: {  	_ =	strace s3  }
0x9d: {  	_ =	strace $0x8FFFFFFF  }
0x9e: {  	s18 =	sld [smem:$0x3FDB];
	_ =	sdelay $0x1  }
0x9f: {  	s19 =	simm.s32 $_scs_section_size  }
0xa0: {  	s5 =	simm.s32 $_size__tile_overlayer_lowered;
	s6 =	simm.s32 $_tile_overlayer_lowered  }
0xa1: {  	s22 =	simm.s32 $0x1BFF;
	s21 =	sshll.u32 s6, $0x1;
	s3 =	sadd.s32 s19, s18  }
0xa2: {  	s7 =	simm.s32 $0x0;
	s20 =	sshll.u32 s5, $0x1;
	s5 =	sadd.s32 s21, s3  }
0xa3: {  	[timem:s7], [sflag:s22] =	dma.local [hbm:s5], s20  }
0xa4: {  	_ =	swait.ge [sflag:s22], s20  }
0xa5: {  	s4 =	ssub.s32 $0x0, s20;
	[sflag:s22] =	ssyncset.done $0x0  }
0xa6: {  	[sflag:s22] =	ssyncadd.s32 s4;
	_ =	sdelay $0x1  }
0xa7: {  	s23 =	simm.s32 $0x1B8B  }
0xa8: {  	_ =	swait.ge [sflag:s23], $0x1  }
0xa9: {  	[sflag:s23] =	ssyncset.done $0x0  }
0xaa: {  	s25 =	simm.s32 $0x1B8E;
	s24 =	sld [smem:$0x3FFE];
	[sflag:s23] =	ssyncadd.s32 $0xFFFFFFFF  }
0xab: {  	s26 =	simm.s32 $execute0_lowered;
	[smem:$0x3FD2] =	sst s25  }
0xac: {  	s5 =	sshll.u32 s26, $0x1;
	_ =	strace $0x80000046;
	[dreg:$0x1] =	wrdreg $0xFFFFFFFF  }
0xad: {  	s28 =	simm.s32 $_size_execute0_lowered;
	s3 =	sadd.s32 s3, s5;
	[dreg:$0x0] =	wrdreg $0x0  }
0xae: {  	s5 =	sshll.u32 s28, $0x1;
	[dreg:$0x2] =	wrdreg s3  }
0xaf: {  	[dreg:$0x3] =	wrdreg s5  }
0xb0: {  	[dreg:$0x4] =	wrdreg $0xC0  }
0xb1: {  	_ =	task [dreg:s7], $0x5FFFF  }
0xb2: {  	[dreg:$0x1] =	wrdreg $0xFFFFFFFF  }
0xb3: {  	[dreg:$0x0] =	wrdreg $0x60  }
0xb4: {  	[dreg:$0x2] =	wrdreg s16  }
0xb5: {  	[dreg:$0x3] =	wrdreg s24  }
0xb6: {  	[dreg:$0x4] =	wrdreg $0x9  }
0xb7: {  	_ =	task.clear_ibuf [dreg:s7], $0x5FFFF;
	_ =	strace $0x90000046  }
0xb8: {  	s29 =	simm.s32 $0x9;
	_ =	strace $0x80000048  }
0xb9: {  	_ =	swait.ge [sflag:s29], $0x1  }
0xba: {  	[sflag:s29] =	ssyncadd.s32 $0xFFFFFFFF  }
0xbb: {  	_ =	strace $0x90000048  }
0xbc: {  	_ =	sfence  }
0xbd: {  	s30 =	sld [smem:$0x0];
	_ =	sdelay $0x2  }
0xbe: {  	s31 =	sshll.u32 s1, $0xD;
	s1 =	sshrl.u32 s1, $0x2  }
0xbf: {  	s3 =	sand.u32 $0x4000, s31;
	s1 =	sadd.s32 s1, s30  }
0xc0: {  	s0 =	sor.u32 s3, s0;
	s1 =	sshll.u32 s1, $0x11  }
0xc1: {  	s0 =	sor.u32 s1, s0  }
0xc2: {  	s0 =	sadd.s32 $0x8F2B, s0  }
0xc3: {  	[sflag:s0] =	ssyncadd.remote.s32 $0x1  }
0xc4: {  	_ =	sfence.sel $0xFFFF  }
0xc5: {  	[dreg:$0x0] =	wrdreg $0xFFFFFFFF;
	(pc) =	sbr.abs _section_cstart, $3  }
0xc6: {  	[dreg:$0x1] =	wrdreg $0xFFFFFFFF  }
0xc7: {  	_ =	task.clear_ibuf [dreg:s7], $0x2FFFF;
	_ =	strace $0x9FFFFFFF  }
0xc8: {  	(tm) =	ssettm $0x7FFFFFFF  }
0xc9: {  	_ =	shalt  }
tec
execute0_lowered:
.L_overlay_start_1:
0x0: {  	(tag) =	ssettag $0x1  }
0x1: {  	s1 =	srdreg.scid;
	s0 =	stileid.u32  }
0x2: {  	s7 =	sand.u32 $0x1, s1;
	s24 =	sshll.u32 s0, $0x1  }
0x3: {  	s2 =	simm.s32 $0x1;
	s5 =	rddreg [dreg:$0x1];
	s9 =	sor.u32 s7, s24  }
0x4: {  	s8 =	simm.s32 $0x1;
	p1 =	seq.s32 s7, $0x1;
	p0 =	seq.s32 s9, $0x0  }
0x5: {  	s1 =	rddreg [dreg:$0x0];
	s29 =	sshll.u32 s0, $0xB;
	p0 =	por !p0, !p1  }
0x6: {  	s31 =	sshll.u32 s0, $0x6;
	s11 =	ssub.s32 $0x2, s7;
	p1 =	por !p0, !p0  }
0x7: {  	s26 =	sshll.u32 s7, $0xA;
	s14 =	sshrl.u32 s11, $0x1;
	s2 =	simm.s32 @!p1 $0x0  }
0x8: {  	s13 =	sshll.u32 s9, $0xA;
	s11 =	ssub.s32 s11, s14;
	s6 =	ssub.s32 s0, s2  }
0x9: {  	s30 =	smul.u32 $0x18000, s9;
	s9 =	smax.u32 s11, $0x1;
	s2 =	sand.u32 $0x3, s6  }
0xa: {  	s3 =	sand.u32 $0xC0, s6;
	p6 =	slt.s32 s6, $0x1;
	p2 =	sne.s32 s2, $0x0  }
0xb: {  	s2 =	rddreg [dreg:$0x2];
	s3 =	sshrl.u32 s3, $0x6;
	p0 =	por !p6, !p2  }
0xc: {  	s4 =	sadd.s32 s3, s6;
	s3 =	simm.s32 $0x0;
	p0 =	por !p0, !p0  }
0xd: {  	s4 =	sshra.s32 s4, $0x2;
	[smem:$0x7FF] =	sst s3;
	s8 =	simm.s32 @!p0 $0x0  }
0xe: {  	_ =	strace $0x80000047;
	s8 =	ssub.s32 s4, s8;
	s4 =	sadd.s32 $0xA00, s5  }
0xf: {  	s5 =	sadd.s32 $0x3A00, s5;
	s10 =	sshll.u32 s8, $0x2;
	s8 =	sshll.u32 s8, $0xC  }
0x10: {  	s12 =	ssub.s32 s6, s10;
	p2 =	seq.s32 s6, s10;
	s6 =	sshll.u32 s6, $0xB  }
0x11: {  	s10 =	simm.s32 $0x400;
	p3 =	seq.s32 s12, $0x1;
	s6 =	ssub.s32 s6, s13  }
0x12: {  	p0 =	seq.s32 s12, $0x2;
	s12 =	simm.s32 $0xC00;
	s10 =	simm.s32 @!p3 $0x600  }
0x13: {  	s13 =	simm.s32 $0xFFFFFFFF;
	s12 =	simm.s32 @!p0 $0xE00;
	s10 =	simm.s32 @p2 $0x0  }
0x14: {  	s13 =	simm.s32 @!p1 $0x0;
	s12 =	simm.s32 @p3 $0x800;
	s16 =	sadd.s32 s6, s10  }
0x15: {  	s13 =	sshll.u32 s13, $0xB;
	p0 =	sgt.s32 s16, $0x0;
	s6 =	smov.u32 s16  }
0x16: {  	s12 =	simm.s32 @p2 $0x0;
	p3 =	slt.s32 s16, $0x1;
	s6 =	simm.s32 @!p0 $0x0  }
0x17: {  	s16 =	simm.s32 $0x0;
	s25 =	smin.u32 s6, $0x400;
	s6 =	simm.s32 $0x1  }
0x18: {  	s12 =	sadd.s32 s25, s12;
	s15 =	ssub.s32 $0x400, s25;
	s17 =	sshrl.u32 s25, $0x7  }
.Ltmp0:
0x19: {  	s14 =	sor.u32 s29, s25;
	s8 =	sadd.s32 s8, s12;
	(pc) =	sbr.rel .LBB2_1-.Ltmp0, $4  }
0x1a: {  	s7 =	sshrl.u32 s15, $0x9;
	s11 =	sadd.s32 s26, s14;
	s12 =	sadd.s32 s30, s5  }
0x1b: {  	s14 =	simm.s32 $0x3;
	s15 =	simm.s32 $0x2;
	s28 =	sadd.s32 s26, s8  }
0x1c: {  	s8 =	smax.u32 s17, $0x1;
	p1 =	slt.s32 s7, $0x1;
	s10 =	ssub.s32 s28, s10  }
0x1d: {  	p2 =	sgt.s32 s7, $0x0;
	s10 =	ssub.s32 s10, s13;
	s13 =	sor.u32 $0x1C02, s31  }
.LBB2_10:
0x1e: {  	[sflag:s6] =	ssyncadd.s32 $0xFFFE8000  }
.LBB2_11:
0x1f: {  	s16 =	sadd.s32 $0x1, s16  }
0x20: {  	p4 =	sne.s32 s16, s9  }
.Ltmp1:
0x21: {  	_ = 	snop;
	(pc) =	sbr.rel @!p4 .LBB2_12-.Ltmp1, $1  }
0x22: {  	_ =	sdelay $0x3  }
.LBB2_1:
.Ltmp2:
0x23: {  	(pc) =	sbr.rel @p1 .LBB2_5-.Ltmp2, $1  }
0x24: {  	_ =	sdelay $0x3  }
0x25: {  	p4 =	sne.s32 s7, $0x1  }
.Ltmp3:
0x26: {  	_ = 	snop;
	(pc) =	sbr.rel @!p4 .LBB2_4-.Ltmp3, $4  }
0x27: {  	s17 =	sshrl.u32 s10, $0x3  }
0x28: {  	s19 =	sshrl.u32 s11, $0x3;
	s18 =	smul.u32 $0x300, s17  }
0x29: {  	s17 =	sadd.s32 $0xFFFFFFFF, s7;
	s21 =	smul.u32 $0x300, s19  }
0x2a: {  	s19 =	smov.u32 s11;
	s20 =	sadd.s32 s1, s18;
	s18 =	smov.u32 s10  }
.LBB2_3:
0x2b: {  	s21 =	sadd.s32 s5, s21  }
0x2c: {  	s18 =	sadd.s32 $0x200, s18;
	s19 =	sadd.s32 $0x200, s19;
	p4 =	sne.s32 s17, $0x1  }
0x2d: {  	[hbm:s21], [sflag:s13] =	dma.local [hbm:s20], $0xC000  }
.Ltmp4:
0x2e: {  	s17 =	sadd.s32 $0xFFFFFFFF, s17;
	(pc) =	sbr.rel @p4 .LBB2_3-.Ltmp4, $4  }
0x2f: {  	s20 =	sshrl.u32 s19, $0x3;
	s21 =	sshrl.u32 s18, $0x3  }
0x30: {  	s22 =	smul.u32 $0x300, s21  }
0x31: {  	s21 =	smul.u32 $0x300, s20  }
0x32: {  	s20 =	sadd.s32 s1, s22  }
.LBB2_4:
0x33: {  	s17 =	sadd.s32 s5, s21  }
0x34: {  	[hbm:s17], [sflag:s13] =	dma.local [hbm:s20], $0xC000  }
.LBB2_5:
.Ltmp5:
0x35: {  	(pc) =	sbr.rel @!p0 .LBB2_6-.Ltmp5, $4  }
0x36: {  	[tilespmem:s3], [sflag:$0x3] =	stream.linear.gather [hbm4b:s4+s3], $0x18000, $0x38;
	[tilespmem:$0x18000] =	vst v63  }
0x37: {  	_ =	swait.ge [sflag:s14], $0x18000  }
0x38: {  	[sflag:s14] =	ssyncset.done $0x0  }
0x39: {  	[sflag:s14] =	ssyncadd.s32 $0xFFFE8000  }
0x3a: {  	p4 =	seq.s32 s8, $0x1  }
.Ltmp6:
0x3b: {  	_ = 	snop;
	(pc) =	sbr.rel @p4 .LBB2_6-.Ltmp6, $3  }
0x3c: {  	_ =	sdelay $0x1  }
0x3d: {  	[hbm4b:s12+s3] =	stream.linear.scatter [tilespmem:s3], [sflag:$0x1], $0x18000, $0x38;
	[tilespmem:$0x18000] =	vst v63  }
0x3e: {  	s17 =	sadd.s32 $0xFFFFFFFF, s8;
	s18 =	smov.u32 s12  }
.LBB2_14:
0x3f: {  	p4 =	seq.s32 s17, $0x1  }
.Ltmp7:
0x40: {  	_ = 	snop;
	(pc) =	sbr.rel @!p4 .LBB2_14-.Ltmp7, $3  }
0x41: {  	_ = 	snop  }
0x42: {  	s17 =	sadd.s32 $0xFFFFFFFF, s17;
	s18 =	sadd.s32 $0x3000, s18;
	_ =	sdelay $0x1  }
0x43: {  	[hbm4b:s18+s3] =	stream.linear.scatter [tilespmem:s3], [sflag:$0x1], $0x18000, $0x38;
	[tilespmem:$0x18000] =	vst v63  }
.LBB2_6:
.Ltmp8:
0x44: {  	(pc) =	sbr.rel @!p2 .LBB2_7-.Ltmp8, $1  }
0x45: {  	_ =	sdelay $0x3  }
0x46: {  	p4 =	seq.s32 s7, $0x1  }
.Ltmp9:
0x47: {  	_ = 	snop;
	(pc) =	sbr.rel @p4 .LBB2_17-.Ltmp9, $3  }
0x48: {  	_ =	sdelay $0x1  }
0x49: {  	_ =	swait.ge [sflag:s15], $0xC000  }
0x4a: {  	s17 =	sadd.s32 $0xFFFFFFFF, s7;
	[sflag:s15] =	ssyncset.done $0x0  }
.LBB2_16:
0x4b: {  	p4 =	seq.s32 s17, $0x1;
	s17 =	sadd.s32 $0xFFFFFFFF, s17;
	[sflag:s15] =	ssyncadd.s32 $0xFFFF4000  }
.Ltmp10:
0x4c: {  	(pc) =	sbr.rel @!p4 .LBB2_16-.Ltmp10, $3  }
0x4d: {  	_ =	sdelay $0x1  }
0x4e: {  	_ =	swait.ge [sflag:s15], $0xC000  }
0x4f: {  	[sflag:s15] =	ssyncset.done $0x0  }
.LBB2_17:
0x50: {  	[sflag:s15] =	ssyncadd.s32 $0xFFFF4000  }
.LBB2_7:
.Ltmp11:
0x51: {  	(pc) =	sbr.rel @p3 .LBB2_11-.Ltmp11, $1  }
0x52: {  	_ =	sdelay $0x3  }
0x53: {  	p4 =	sne.s32 s8, $0x1  }
.Ltmp12:
0x54: {  	_ = 	snop;
	(pc) =	sbr.rel @!p4 .LBB2_10-.Ltmp12, $3  }
0x55: {  	_ =	sdelay $0x1  }
0x56: {  	_ =	swait.ge [sflag:s6], $0x18000  }
0x57: {  	s17 =	sadd.s32 $0xFFFFFFFF, s8;
	[sflag:s6] =	ssyncset.done $0x0  }
.LBB2_9:
0x58: {  	p4 =	sne.s32 s17, $0x1;
	s17 =	sadd.s32 $0xFFFFFFFF, s17;
	[sflag:s6] =	ssyncadd.s32 $0xFFFE8000  }
.Ltmp13:
0x59: {  	(pc) =	sbr.rel @p4 .LBB2_9-.Ltmp13, $3  }
0x5a: {  	_ =	sdelay $0x1  }
0x5b: {  	_ =	swait.ge [sflag:s6], $0x18000  }
0x5c: {  	[sflag:s6] =	ssyncset.done $0x0  }
.Ltmp14:
0x5d: {  	_ = 	snop;
	(pc) =	sbr.rel .LBB2_10-.Ltmp14, $1  }
0x5e: {  	_ =	sdelay $0x3  }
.LBB2_12:
0x5f: {  	_ =	sfence.sel $0x180000  }
0x60: {  	[bflag:$0x0] =	sbarrier.arrive $0xFFFF  }
0x61: {  	p0 =	sne.s32 s0, $0x0;
	_ =	strace $0x90000047  }
0x62: {  	s0 =	sadd.s32 @!p0 $0x100000, s2;
	[bflag:$0x2] =	sbarrier.arrive $0xFFFF  }
0x63: {  	[sflag:s0] =	ssyncadd.tile.s32 @!p0 $0x1;
	_ =	shalt  }
.Lfunc_end2:
_tile_overlayer_lowered:
.L_overlay_start_2:
0x64: {  	(tag) =	ssettag $0x2  }
0x65: {  	s0 =	rddreg [dreg:$0x0];
	s2 =	stileid.u32  }
0x66: {  	s1 =	rddreg [dreg:$0x1];
	p0 =	sne.s32 s2, $0x0  }
0x67: {  	s3 =	rddreg [dreg:$0x2];
	[bflag:$0x3] =	sbarrier.arrive $0xFFFF;
	s2 =	simm.s32 @!p0 $0x1C03  }
0x68: {  	[timem:s3], [sflag:s2] =	dma.local @!p0 [hbm:s0], s1  }
0x69: {  	s0 =	simm.s32 @!p0 $0x3  }
0x6a: {  	_ =	swait.ge @!p0 [sflag:s0], s1  }
0x6b: {  	s1 =	ssub.s32 @!p0 $0x0, s1;
	[sflag:s0] =	ssyncset.done @!p0 $0x0  }
0x6c: {  	[sflag:s0] =	ssyncadd.s32 @!p0 s1  }
0x6d: {  	[bflag:$0x3] =	sbarrier.arrive $0xFFFF  }
0x6e: {  	_ =	shalt  }

// kernel: sparse-core-data-format-call.cloned.1.call-start
scs
called_computation_lowered:
.L_overlay_start_0:
0x0: {  	s2 =	sld [smem:$0x3FD9]  }
0x1: {  	s3 =	sld [smem:$0x3FFE];
	_ =	sdelay $0x1  }
0x2: {  	s1 =	srdreg.scid  }
0x3: {  	s0 =	sand.u32 $0x1, s1  }
0x4: {  	s15 =	sshll.u32 s0, $0xA;
	s2 =	sadd.s32 s3, s2  }
0x5: {  	s2 =	sadd.s32 s2, s15  }
0x6: {  	[smem:$0x3FC6] =	sst s2  }
0x7: {  	_ = 	snop  }
0x8: {  	s2 =	sld [smem:$0x3FD0];
	_ =	sdelay $0x2  }
0x9: {  	s16 =	simm.s32 $0xA;
	s4 =	simm.s32 $0x10  }
0xa: {  	[smem:s4], [sflag:s16] =	dma.local [hbm:s2], $0x1  }
0xb: {  	_ =	swait.eq [sflag:s16], $0x1  }
0xc: {  	[sflag:s16] =	ssyncset.done $0x0  }
0xd: {  	[sflag:s16] =	ssyncadd.s32 $0xFFFFFFFF  }
0xe: {  	s17 =	sld [smem:$0x10];
	(tm) =	ssettm $0x1  }
0xf: {  	s18 =	sld [smem:$0x3FFB];
	_ =	sdelay $0x3  }
0x10: {  	_ =	strace s18  }
0x11: {  	s3 =	sld [smem:$0x3FFC];
	_ =	sdelay $0x3  }
0x12: {  	_ =	strace s3  }
0x13: {  	s3 =	sld [smem:$0x3FFD];
	_ =	sdelay $0x3  }
0x14: {  	_ =	strace s3  }
0x15: {  	_ =	strace $0x8FFFFFFF  }
0x16: {  	s19 =	sld [smem:$0x3FDB];
	_ =	sdelay $0x1  }
0x17: {  	s20 =	simm.s32 $_scs_section_size  }
0x18: {  	s5 =	simm.s32 $_size__tile_overlayer_lowered;
	s6 =	simm.s32 $_tile_overlayer_lowered  }
0x19: {  	s23 =	simm.s32 $0x1BFF;
	s22 =	sshll.u32 s6, $0x1;
	s3 =	sadd.s32 s20, s19  }
0x1a: {  	s7 =	simm.s32 $0x0;
	s21 =	sshll.u32 s5, $0x1;
	s5 =	sadd.s32 s22, s3  }
0x1b: {  	[timem:s7], [sflag:s23] =	dma.local [hbm:s5], s21  }
0x1c: {  	_ =	swait.ge [sflag:s23], s21  }
0x1d: {  	s4 =	ssub.s32 $0x0, s21;
	[sflag:s23] =	ssyncset.done $0x0  }
0x1e: {  	[sflag:s23] =	ssyncadd.s32 s4;
	_ =	sdelay $0x1  }
0x1f: {  	s24 =	simm.s32 $0x1B8B  }
0x20: {  	_ =	swait.ge [sflag:s24], $0x1  }
0x21: {  	[sflag:s24] =	ssyncset.done $0x0  }
0x22: {  	s26 =	simm.s32 $0x1B8E;
	s25 =	sld [smem:$0x3FFE];
	[sflag:s24] =	ssyncadd.s32 $0xFFFFFFFF  }
0x23: {  	s27 =	simm.s32 $execute0_lowered;
	[smem:$0x3FD2] =	sst s26  }
0x24: {  	s5 =	sshll.u32 s27, $0x1;
	_ =	strace $0x80000049;
	[dreg:$0x1] =	wrdreg $0xFFFFFFFF  }
0x25: {  	s28 =	simm.s32 $_size_execute0_lowered;
	s3 =	sadd.s32 s3, s5;
	[dreg:$0x0] =	wrdreg $0x0  }
0x26: {  	s5 =	sshll.u32 s28, $0x1;
	[dreg:$0x2] =	wrdreg s3  }
0x27: {  	[dreg:$0x3] =	wrdreg s5  }
0x28: {  	[dreg:$0x4] =	wrdreg $0xC0  }
0x29: {  	_ =	task [dreg:s7], $0x5FFFF  }
0x2a: {  	[dreg:$0x1] =	wrdreg $0xFFFFFFFF  }
0x2b: {  	[dreg:$0x0] =	wrdreg $0x60  }
0x2c: {  	[dreg:$0x2] =	wrdreg s25  }
0x2d: {  	[dreg:$0x3] =	wrdreg s17  }
0x2e: {  	[dreg:$0x4] =	wrdreg $0x9  }
0x2f: {  	_ =	task.clear_ibuf [dreg:s7], $0x5FFFF;
	_ =	strace $0x90000049  }
0x30: {  	s29 =	simm.s32 $0x9;
	_ =	strace $0x8000004B  }
0x31: {  	_ =	swait.ge [sflag:s29], $0x1  }
0x32: {  	[sflag:s29] =	ssyncadd.s32 $0xFFFFFFFF  }
0x33: {  	_ =	strace $0x9000004B  }
0x34: {  	_ =	sfence  }
0x35: {  	s30 =	sld [smem:$0x0];
	_ =	sdelay $0x2  }
0x36: {  	s31 =	sshll.u32 s1, $0xD;
	s1 =	sshrl.u32 s1, $0x2  }
0x37: {  	s3 =	sand.u32 $0x4000, s31;
	s1 =	sadd.s32 s1, s30  }
0x38: {  	s0 =	sor.u32 s3, s0;
	s1 =	sshll.u32 s1, $0x11  }
0x39: {  	s0 =	sor.u32 s1, s0  }
0x3a: {  	s0 =	sadd.s32 $0x8F2B, s0  }
0x3b: {  	[sflag:s0] =	ssyncadd.remote.s32 $0x1  }
0x3c: {  	_ =	sfence.sel $0xFFFF  }
0x3d: {  	[dreg:$0x0] =	wrdreg $0xFFFFFFFF;
	(pc) =	sbr.abs _section_cstart, $3  }
0x3e: {  	[dreg:$0x1] =	wrdreg $0xFFFFFFFF  }
0x3f: {  	_ =	task.clear_ibuf [dreg:s7], $0x2FFFF;
	_ =	strace $0x9FFFFFFF  }
0x40: {  	(tm) =	ssettm $0x7FFFFFFF  }
0x41: {  	_ =	shalt  }
tec
execute0_lowered:
.L_overlay_start_1:
0x0: {  	(tag) =	ssettag $0x1  }
0x1: {  	s3 =	rddreg [dreg:$0x0]  }
0x2: {  	s0 =	srdreg.scid;
	s2 =	rddreg [dreg:$0x1]  }
0x3: {  	s7 =	simm.s32 $0x2;
	s17 =	simm.s32 $0x0;
	p0 =	por $0x0, $0x0  }
0x4: {  	s8 =	simm.s32 $0x8000;
	s16 =	simm.s32 $0x0;
	s0 =	sshll.u32 s0, $0x7  }
0x5: {  	s18 =	simm.s32 $0x0;
	s9 =	simm.s32 $0x0;
	s1 =	sand.u32 $0x80, s0  }
0x6: {  	s10 =	simm.s32 $0x0;
	s11 =	simm.s32 $0x0;
	s4 =	ssub.s32 $0x800, s1  }
0x7: {  	s12 =	simm.s32 $0x0;
	s14 =	stileid.u32;
	s5 =	sshrl.u32 s4, $0x7  }
.Ltmp0:
0x8: {  	s6 =	sshrl.u32 s4, $0x8;
	s5 =	sand.u32 $0x1, s5;
	(pc) =	sbr.rel .LBB1_1-.Ltmp0, $4  }
0x9: {  	s15 =	simm.s32 $0x0;
	s0 =	rddreg [dreg:$0x2];
	s5 =	sadd.s32 s6, s5  }
0xa: {  	_ =	strace $0x8000004A;
	s4 =	simm.s32 $0x1;
	s5 =	smul.u32 $0x6, s5  }
0xb: {  	s13 =	smov.u32 s1;
	[sflag:s4] =	ssyncpa.u1 $0x0;
	s6 =	sadd.s32 $0x3A00, s3  }
0xc: {  	s3 =	stileid.u32;
	[sflag:s7] =	ssyncpa.u1 $0x0;
	s7 =	sor.u32 $0x1, s5  }
.LBB1_4:
0xd: {  	s23 =	sshra.s32 s23, $0x2  }
0xe: {  	s28 =	sand.u32 $0x78, s10;
	s24 =	sshll.u32 s11, $0x7;
	p1 =	sgt.s32 s11, $0xF  }
0xf: {  	s25 =	smov.u32 s11;
	s26 =	sshra.s32 s11, $0x1F;
	s27 =	smov.u32 s9  }
0x10: {  	s30 =	sshll.u32 s11, $0xB;
	s31 =	sshra.s32 s9, $0x1F;
	s22 =	sadd.s32 s23, s22  }
0x11: {  	s24 =	sand.u32 $0x380, s24;
	s25 =	simm.s32 @!p1 $0xF;
	p1 =	sgt.s32 s9, $0x23C  }
0x12: {  	s26 =	sand.u32 s26, s11;
	s23 =	sor.u32 s24, s28;
	s27 =	simm.s32 @!p1 $0x23C  }
0x13: {  	s24 =	ssub.s32 s25, s26;
	p1 =	sgt.s32 s10, $0x780;
	s26 =	smov.u32 s10  }
0x14: {  	v5 =	vld [tilespmem:s20+$0xFFFFFFD0];
	[tilespmem:s21+$0x2040 ss:$0x81] =	vst.msk $0xffff, v4;
	s28 =	sshra.s32 s10, $0x1F;
	s25 =	sadd.s32 $0xFFFFFFF1, s24;
	s26 =	simm.s32 @!p1 $0x780  }
0x15: {  	v58 =	vld [tilespmem:s20+$0xFFFFFFE0];
	[tilespmem:s21+$0x2850 ss:$0x81] =	vst.msk $0xffff, v3;
	s29 =	sand.u32 s28, s10;
	s28 =	sand.u32 $0x4000, s30;
	s24 =	ssub.s32 $0x10, s24  }
0x16: {  	v59 =	vld [tilespmem:s20+$0xFFFFFFF0];
	[tilespmem:s21+$0x3060 ss:$0x81] =	vst.msk $0xffff, v2;
	p1 =	sgt.s32 s25, $0x0;
	s25 =	ssub.s32 s26, s29;
	s26 =	sand.u32 s31, s9  }
0x17: {  	[tilespmem:s21+$0x0 ss:$0x81] =	vst.msk $0xffff, v1;
	v60 =	vld [tilespmem:s20+$0x0];
	s30 =	sshll.u32 s10, $0x3;
	s21 =	ssub.s32 s27, s26;
	s24 =	simm.s32 @p1 $0x0  }
0x18: {  	v61 =	vld [tilespmem:s20+$0x10];
	[tilespmem:s22+$0x3870 ss:$0x81] =	vst.msk $0xffff, v0;
	s27 =	sadd.s32 $0xFFFFF880, s25;
	s25 =	ssub.s32 $0x800, s25;
	s26 =	sadd.s32 s28, s30  }
0x19: {  	v62 =	vld [tilespmem:s20+$0x20];
	[tilespmem:s22+$0x810 ss:$0x81] =	vst.msk $0xffff, v5;
	p1 =	sgt.s32 s27, $0x7F;
	s29 =	sadd.s32 $0xFFFFFDC4, s21;
	s21 =	ssub.s32 $0x2BC, s21  }
0x1a: {  	v63 =	vld [tilespmem:s20+$0xFFFFFFC0];
	[tilespmem:s22+$0x1020 ss:$0x81] =	vst.msk $0xffff, v58;
	s27 =	sshll.u32 s9, $0xC;
	s28 =	sshrl.u32 s26, $0x3;
	s25 =	simm.s32 @p1 $0x0  }
0x1b: {  	[tilespmem:s22+$0x1830 ss:$0x81] =	vst.msk $0xffff, v59;
	p1 =	sgt.s32 s29, $0x7F;
	s29 =	sand.u32 $0x7, s10;
	s31 =	smul.u32 s24, s25  }
0x1c: {  	[tilespmem:s22+$0x2040 ss:$0x81] =	vst.msk $0xffff, v60;
	s25 =	sand.u32 $0x400, s30;
	s21 =	simm.s32 @p1 $0x0;
	s24 =	sand.u32 $0xF00, s28  }
0x1d: {  	[tilespmem:s22+$0x2850 ss:$0x81] =	vst.msk $0xffff, v61;
	s23 =	sor.u32 s25, s23;
	s20 =	smul.u32 s21, s31;
	s21 =	sadd.s32 s2, s27  }
0x1e: {  	[tilespmem:s22+$0x3060 ss:$0x81] =	vst.msk $0xffff, v62;
	s30 =	sshll.u32 s29, $0x12;
	s23 =	sshrl.u32 s23, $0x3;
	s21 =	sadd.s32 s24, s21  }
0x1f: {  	[tilespmem:s22+$0x0 ss:$0x81] =	vst.msk $0xffff, v63;
	s31 =	sor.u32 $0x80, s30;
	s20 =	sand.u32 $0x3FFFFFFF, s20;
	s21 =	sadd.s32 s23, s21  }
0x20: {  	[hbm4b:s21+s31] =	stream.strided.scatter [tilespmem:s19], [sflag:$0x2], s20, s8, s31, $0x20;
	[tilespmem:$0x10100] =	vst v63  }
.LBB1_5:
0x21: {  	p1 =	slt.u32 s15, $0x2;
	s20 =	smov.u32 s18  }
0x22: {  	p2 =	sgt.s32 @!p1 s17, $0x23C;
	s19 =	sshra.s32 @!p1 s17, $0x1F;
	p3 =	sgt.s32 @!p1 s18, $0xF  }
0x23: {  	s21 =	sshra.s32 @!p1 s18, $0x1F;
	p2 =	por !p2, p1;
	s19 =	sand.u32 @!p1 s19, s17  }
0x24: {  	p3 =	por !p3, p1;
	s18 =	sand.u32 @!p1 s21, s18;
	s21 =	sshra.s32 @!p1 s16, $0x1F  }
0x25: {  	s20 =	simm.s32 @p3 $0xF;
	p3 =	sgt.s32 @!p1 s16, $0x780;
	s17 =	simm.s32 @p2 $0x23C  }
0x26: {  	s18 =	ssub.s32 @!p1 s20, s18;
	p3 =	por !p3, p1;
	s20 =	smov.u32 s16  }
0x27: {  	s16 =	sand.u32 @!p1 s21, s16;
	s17 =	ssub.s32 @!p1 s17, s19;
	s20 =	simm.s32 @p3 $0x780  }
0x28: {  	s19 =	sadd.s32 @!p1 $0xFFFFFFF1, s18;
	s18 =	ssub.s32 @!p1 $0x10, s18;
	s16 =	ssub.s32 @!p1 s20, s16  }
0x29: {  	s20 =	sadd.s32 @!p1 $0xFFFFFDC4, s17;
	p2 =	sgt.s32 @!p1 s19, $0x0;
	s19 =	sadd.s32 @!p1 $0xFFFFF880, s16  }
0x2a: {  	s17 =	ssub.s32 @!p1 $0x2BC, s17;
	p2 =	por !p2, p1;
	p3 =	sgt.s32 @!p1 s19, $0x7F  }
0x2b: {  	s16 =	ssub.s32 @!p1 $0x800, s16;
	s18 =	simm.s32 @!p2 $0x0;
	p2 =	por !p3, p1  }
0x2c: {  	s19 =	sadd.s32 $0x80, s12;
	p3 =	sgt.s32 @!p1 s20, $0x7F;
	s16 =	simm.s32 @!p2 $0x0  }
0x2d: {  	s20 =	smov.u32 s13;
	p2 =	por !p3, p1;
	s16 =	smul.u32 @!p1 s18, s16  }
0x2e: {  	s17 =	simm.s32 @!p2 $0x0;
	p2 =	sgt.s32 s19, $0x2BB;
	s18 =	sadd.s32 $0x100, s13  }
0x2f: {  	s21 =	smov.u32 s14;
	s20 =	smov.u32 @p2 s18  }
0x30: {  	s16 =	smul.u32 @!p1 s17, s16;
	p3 =	sgt.s32 s20, $0x7FF;
	s17 =	sadd.s32 $0x10, s14  }
0x31: {  	p0 =	por !p0, !p0;
	s22 =	simm.s32 @!p1 $0x2;
	s21 =	smov.u32 @p3 s17  }
0x32: {  	s19 =	simm.s32 @p2 $0x0;
	s18 =	smov.u32 s11;
	p2 =	sgt.s32 s21, $0xF  }
0x33: {  	s11 =	smov.u32 s14;
	s21 =	smov.u32 @p2 s3;
	p2 =	sne.s32 s15, s7  }
.Ltmp1:
0x34: {  	s20 =	smov.u32 @p3 s1;
	s17 =	smov.u32 s9;
	(pc) =	sbr.rel @!p2 .LBB1_6-.Ltmp1, $4  }
0x35: {  	s9 =	smov.u32 s12;
	s12 =	smov.u32 s19;
	s16 =	sand.u32 @!p1 $0x3FFFFFFF, s16  }
0x36: {  	_ =	swait.ge @!p1 [sflag:s22], s16;
	s23 =	ssub.s32 @!p1 $0x0, s16;
	s16 =	smov.u32 s10  }
0x37: {  	s15 =	sadd.s32 $0x1, s15;
	s10 =	smov.u32 s13;
	[sflag:s22] =	ssyncset.done @!p1 $0x0  }
0x38: {  	s13 =	smov.u32 s20;
	s14 =	smov.u32 s21;
	[sflag:s22] =	ssyncadd.s32 @!p1 s23  }
.LBB1_1:
0x39: {  	p1 =	sge.u32 s15, s5  }
0x3a: {  	s19 =	sshrl.u32 @!p1 s13, $0x3  }
0x3b: {  	s20 =	sshll.u32 @!p1 s12, $0x3;
	s19 =	smul.u32 @!p1 $0x1800, s19  }
0x3c: {  	s21 =	sshll.u32 @!p1 s13, $0x7;
	s20 =	sand.u32 @!p1 $0xFFFFFC00, s20  }
0x3d: {  	s19 =	sadd.s32 @!p1 s19, s20;
	s20 =	sand.u32 @!p1 $0x380, s21  }
0x3e: {  	s21 =	sand.u32 @!p1 $0x7F, s12;
	s19 =	sor.u32 @!p1 s20, s19  }
0x3f: {  	s20 =	sor.u32 @!p1 s21, s19  }
0x40: {  	s21 =	smulhi.u32 @!p1 $0xAAAAAAAB, s20  }
0x41: {  	s19 =	smulhi.u32 @!p1 $0xAAAAAAAB, s19  }
0x42: {  	s21 =	sshrl.u32 @!p1 s21, $0x9  }
0x43: {  	s31 =	sadd.s32 $0xFFFFFFFF, s15;
	s19 =	sshrl.u32 @!p1 s19, $0x9;
	s21 =	smul.u32 @!p1 $0x300, s21  }
0x44: {  	s22 =	sxor.u32 @!p1 $0xFFFFFFFF, s15;
	s23 =	smul.u32 @!p1 $0x30000, s14;
	s19 =	sand.u32 @!p1 $0x7FF, s19  }
0x45: {  	s22 =	sshll.u32 @!p1 s22, $0xE;
	s19 =	smul.u32 @!p1 $0x60, s19;
	s20 =	ssub.s32 @!p1 s20, s21  }
0x46: {  	s21 =	sand.u32 @!p1 $0x4000, s22;
	s22 =	sadd.s32 @!p1 s6, s23;
	s23 =	sand.u32 @!p1 $0x7, s20  }
0x47: {  	s20 =	sshrl.u32 @!p1 s20, $0x3;
	s19 =	sadd.s32 @!p1 s19, s22;
	s22 =	sshll.u32 @!p1 s23, $0x12  }
0x48: {  	s19 =	sadd.s32 @!p1 s20, s19;
	s20 =	sor.u32 @!p1 $0x400, s22;
	s22 =	simm.s32 @!p1 $0x1800  }
0x49: {  	[tilespmem:s21], [sflag:$0x1] =	stream.strided.gather @!p1 [hbm4b:s19+s20], $0x4000, s22, s20, $0x38;
	[tilespmem:$0x10100] =	vst v63  }
0x4a: {  	p1 =	sge.u32 s31, s5  }
.Ltmp2:
0x4b: {  	_ = 	snop;
	(pc) =	sbr.rel @p1 .LBB1_5-.Ltmp2, $1  }
0x4c: {  	_ =	sdelay $0x3  }
0x4d: {  	s19 =	simm.s32 $0x1  }
0x4e: {  	_ =	swait.ge [sflag:s4], $0x4000;
	s19 =	simm.s32 @!p0 $0x0  }
0x4f: {  	[sflag:s4] =	ssyncset.done $0x0;
	s20 =	sshll.u32 s19, $0xE  }
0x50: {  	[sflag:s4] =	ssyncadd.s32 $0xFFFFC000;
	s20 =	sor.u32 $0x40, s20  }
0x51: {  	s19 =	smul.u32 $0x10200, s19;
	v0 =	vld [tilespmem:s20+$0x30]  }
0x52: {  	v1 =	vld [tilespmem:s20+$0xFFFFFFD0]  }
0x53: {  	s19 =	sshrl.u32 s19, $0x2;
	v5 =	vld [tilespmem:s20+$0xFFFFFFE0]  }
0x54: {  	v6 =	vld [tilespmem:s20+$0xFFFFFFF0];
	s22 =	sor.u32 $0x8000, s19  }
0x55: {  	s31 =	sand.u32 $0x1, s15;
	v4 =	vld [tilespmem:s20+$0x0];
	s21 =	sadd.s32 $0x0, s22  }
0x56: {  	v3 =	vld [tilespmem:s20+$0x10];
	s19 =	smul.u32 $0x10200, s31;
	[tilespmem:s21+$0x3870 ss:$0x81] =	vst.msk $0xffff, v0  }
0x57: {  	v2 =	vld [tilespmem:s20+$0x20];
	[tilespmem:s21+$0x810 ss:$0x81] =	vst.msk $0xffff, v1  }
0x58: {  	s19 =	sshrl.u32 s19, $0x2;
	v1 =	vld [tilespmem:s20+$0xFFFFFFC0];
	[tilespmem:s21+$0x1020 ss:$0x81] =	vst.msk $0xffff, v5;
	s20 =	sadd.s32 $0x80, s20  }
0x59: {  	s23 =	simm.s32 $0x4;
	s24 =	simm.s32 $0x8;
	s19 =	sor.u32 $0x8000, s19;
	[tilespmem:s21+$0x1830 ss:$0x81] =	vst.msk $0xffff, v6;
	v0 =	vld [tilespmem:s20+$0x30]  }
.LBB1_3:
0x5a: {  	p1 =	sne.s32 s24, $0x1FC;
	v5 =	vld [tilespmem:s20+$0xFFFFFFD0];
	[tilespmem:s21+$0x2040 ss:$0x81] =	vst.msk $0xffff, v4  }
0x5b: {  	v6 =	vld [tilespmem:s20+$0xFFFFFFE0];
	[tilespmem:s21+$0x2850 ss:$0x81] =	vst.msk $0xffff, v3  }
0x5c: {  	s25 =	sshra.s32 s23, $0x2;
	s23 =	smov.u32 s24;
	v7 =	vld [tilespmem:s20+$0xFFFFFFF0];
	[tilespmem:s21+$0x3060 ss:$0x81] =	vst.msk $0xffff, v2  }
.Ltmp3:
0x5d: {  	v4 =	vld [tilespmem:s20+$0x0];
	[tilespmem:s21+$0x0 ss:$0x81] =	vst.msk $0xffff, v1;
	s21 =	sadd.s32 s25, s22;
	(pc) =	sbr.rel @p1 .LBB1_3-.Ltmp3, $4  }
0x5e: {  	v3 =	vld [tilespmem:s20+$0x10];
	[tilespmem:s21+$0x3870 ss:$0x81] =	vst.msk $0xffff, v0  }
0x5f: {  	[tilespmem:s21+$0x810 ss:$0x81] =	vst.msk $0xffff, v5;
	v2 =	vld [tilespmem:s20+$0x20]  }
0x60: {  	v1 =	vld [tilespmem:s20+$0xFFFFFFC0];
	[tilespmem:s21+$0x1020 ss:$0x81] =	vst.msk $0xffff, v6;
	s20 =	sadd.s32 $0x80, s20  }
0x61: {  	s24 =	sadd.s32 $0x4, s24;
	v0 =	vld [tilespmem:s20+$0x30];
	[tilespmem:s21+$0x1830 ss:$0x81] =	vst.msk $0xffff, v7  }
.Ltmp4:
0x62: {  	_ = 	snop;
	(pc) =	sbr.rel .LBB1_4-.Ltmp4, $1  }
0x63: {  	_ =	sdelay $0x3  }
.LBB1_6:
0x64: {  	_ =	sfence.sel $0x180000  }
0x65: {  	s1 =	simm.s32 $0x1;
	[bflag:$0x0] =	sbarrier.arrive $0xFFFF  }
0x66: {  	s31 =	simm.s32 $0x2;
	[sflag:s1] =	ssyncpa.u1 $0x1  }
0x67: {  	[sflag:s31] =	ssyncpa.u1 $0x1  }
0x68: {  	p0 =	sne.s32 s3, $0x0;
	_ =	strace $0x9000004A  }
0x69: {  	s0 =	sadd.s32 @!p0 $0x100000, s0;
	[bflag:$0x2] =	sbarrier.arrive $0xFFFF  }
0x6a: {  	[sflag:s0] =	ssyncadd.tile.s32 @!p0 $0x1;
	_ =	shalt  }
.Lfunc_end1:
_tile_overlayer_lowered:
.L_overlay_start_2:
0x6b: {  	(tag) =	ssettag $0x2  }
0x6c: {  	s0 =	rddreg [dreg:$0x0];
	s2 =	stileid.u32  }
0x6d: {  	s1 =	rddreg [dreg:$0x1];
	p0 =	sne.s32 s2, $0x0  }
0x6e: {  	s3 =	rddreg [dreg:$0x2];
	[bflag:$0x3] =	sbarrier.arrive $0xFFFF;
	s2 =	simm.s32 @!p0 $0x1C01  }
0x6f: {  	[timem:s3], [sflag:s2] =	dma.local @!p0 [hbm:s0], s1  }
0x70: {  	s0 =	simm.s32 @!p0 $0x1  }
0x71: {  	_ =	swait.ge @!p0 [sflag:s0], s1  }
0x72: {  	s1 =	ssub.s32 @!p0 $0x0, s1;
	[sflag:s0] =	ssyncset.done @!p0 $0x0  }
0x73: {  	[sflag:s0] =	ssyncadd.s32 @!p0 s1  }
0x74: {  	[bflag:$0x3] =	sbarrier.arrive $0xFFFF  }
0x75: {  	_ =	shalt  }

</sc_bundles>
